<compile_context>
chip_gen: v7x
topology: tpu7x:2x2x1
jax: 0.10.2.dev20260603
libtpu: 0.0.44.dev20260713+nightly
codegen_flags: <defaults>
</compile_context>

<pallas_src>
import functools

import jax
import jax.numpy as jnp
from jax import lax
from jax.experimental import pallas as pl
from jax.experimental.pallas import tpu as pltpu
from jax.experimental.pallas import tpu_sc as plsc

B = 16384
NUM_SUBCORES = 16
LANES = 16
B_PER_W = B // NUM_SUBCORES

_mesh = plsc.VectorSubcoreMesh(
    core_axis_name="c", subcore_axis_name="s", num_cores=1
)


@functools.partial(
    pl.kernel,
    out_type=jax.ShapeDtypeStruct((B,), jnp.float32),
    mesh=_mesh,
    compiler_params=pltpu.CompilerParams(needs_layout_passes=False),
    scratch_types=[
        pltpu.VMEM((B_PER_W,), jnp.int32),
        pltpu.VMEM((LANES,), jnp.float32),
        pltpu.VMEM((B_PER_W,), jnp.float32),
        pltpu.SemaphoreType.DMA,
        pltpu.SemaphoreType.DMA,
        pltpu.SemaphoreType.DMA,
    ],
)
def _lookup(idx_hbm, tab_hbm, out_hbm, idx_v, tab_v, out_v, isem, osem, tsem):
    base = lax.axis_index("s") * B_PER_W
    cp_t = pltpu.async_copy(tab_hbm, tab_v.at[pl.ds(0, 2)], tsem)
    cp_i = pltpu.async_copy(
        idx_hbm.at[pl.ds(base, B_PER_W)], idx_v, isem
    )
    cp_t.wait()
    tv = tab_v[...]
    t0 = jnp.full((LANES,), tv[0], dtype=jnp.float32)
    dt = jnp.full((LANES,), tv[1] - tv[0], dtype=jnp.float32)
    cp_i.wait()

    @plsc.parallel_loop(0, B_PER_W, step=LANES, unroll=8)
    def _(off):
        f = idx_v[pl.ds(off, LANES)].astype(jnp.float32)
        out_v[pl.ds(off, LANES)] = t0 + f * dt

    pltpu.async_copy(out_v, out_hbm.at[pl.ds(base, B_PER_W)], osem).wait()


def kernel(indices, table):
    out = _lookup(indices.astype(jnp.int32), table.reshape(2))
    return out.reshape(B, 1)

# --- scband reference (transcript-rebuilt; emitter-appended) ---
"""Pipeline reference for scband-exposure-time-42795054137735 (READ-ONLY COPY).

The authoritative reference and input builder live on the scoring server;
editing this copy changes nothing except your own understanding.
"""

import jax, jax.numpy as jnp
import numpy as np


def setup_inputs(seed: int = 0) -> dict:
    key = jax.random.key(seed)
    k1, k2 = jax.random.split(key)
    indices = jax.random.randint(k1, (16384,), 0, 2)
    table = jax.random.normal(k2, (2, 1), dtype=jnp.float32)
    return {"indices": indices, "table": table}


def reference(indices, table):
    # Equivalent of nn.Embedding(2, 1) lookup: out[b] = table[indices[b]]
    return jnp.take(table, indices, axis=0)

if __name__ == "__main__":
    import jax
    _d = setup_inputs()
    print(jax.jit(kernel)(*tuple(_d.values())))

</pallas_src>

<mosaic_0001>
#map = affine_map<(d0, d1) -> (0)>
module attributes {stable_mosaic.version = 14 : i64} {
  func.func @_lookup(%arg0: i32, %arg1: i32, %arg2: memref<16384xi32, #tpu.memory_space<hbm>>, %arg3: memref<2xf32, #tpu.memory_space<hbm>>, %arg4: memref<16384xf32, #tpu.memory_space<hbm>>, %arg5: memref<1024xi32, #tpu.memory_space<vmem>>, %arg6: memref<16xf32, #tpu.memory_space<vmem>>, %arg7: memref<1024xf32, #tpu.memory_space<vmem>>, %arg8: memref<!tpu.dma_semaphore, #tpu.memory_space<semaphore_mem>>, %arg9: memref<!tpu.dma_semaphore, #tpu.memory_space<semaphore_mem>>, %arg10: memref<!tpu.dma_semaphore, #tpu.memory_space<semaphore_mem>>) attributes {dimension_semantics = [#tpu.dimension_semantics<core_parallel>, #tpu.dimension_semantics<subcore_parallel>], iteration_bounds = array<i64: 1, 16>, scalar_prefetch = 0 : i64, scratch_operands = 6 : i64, tpu.core_type = #tpu.core_type<sc_vector_subcore>, window_params = [{transform_indices = #map}, {transform_indices = #map}, {transform_indices = #map}]} {
    %mul3A = arith.constant 1024 : i32
    %mul3A_0 = arith.muli %arg1, %mul3A : i32
    %dma_start3A = arith.constant 0 : i32
    %dma_start3A_1 = tpu.memref_slice %arg6[%dma_start3A] : memref<16xf32, #tpu.memory_space<vmem>> -> memref<2xf32, #tpu.memory_space<vmem>>
    %dma_start3A_2 = arith.constant 0 : i32
    %dma_start3A_3 = tpu.memref_slice %arg6[%dma_start3A_2] : memref<16xf32, #tpu.memory_space<vmem>> -> memref<2xf32, #tpu.memory_space<vmem>>
    tpu.enqueue_dma source(%arg3 : memref<2xf32, #tpu.memory_space<hbm>>) target(%dma_start3A_3 : memref<2xf32, #tpu.memory_space<vmem>>) target_semaphore(%arg10 : memref<!tpu.dma_semaphore, #tpu.memory_space<semaphore_mem>>)
    %dma_start3A_4 = tpu.memref_slice %arg2[%mul3A_0] : memref<16384xi32, #tpu.memory_space<hbm>> -> memref<1024xi32, #tpu.memory_space<hbm>>
    %dma_start3A_5 = tpu.memref_slice %arg2[%mul3A_0] : memref<16384xi32, #tpu.memory_space<hbm>> -> memref<1024xi32, #tpu.memory_space<hbm>>
    tpu.enqueue_dma source(%dma_start3A_5 : memref<1024xi32, #tpu.memory_space<hbm>>) target(%arg5 : memref<1024xi32, #tpu.memory_space<vmem>>) target_semaphore(%arg8 : memref<!tpu.dma_semaphore, #tpu.memory_space<semaphore_mem>>)
    %dma_wait3A = arith.constant 0 : i32
    %dma_wait3A_6 = tpu.memref_slice %arg6[%dma_wait3A] : memref<16xf32, #tpu.memory_space<vmem>> -> memref<2xf32, #tpu.memory_space<vmem>>
    %dma_wait3A_7 = arith.constant 0 : i32
    %dma_wait3A_8 = tpu.memref_slice %arg6[%dma_wait3A_7] : memref<16xf32, #tpu.memory_space<vmem>> -> memref<2xf32, #tpu.memory_space<vmem>>
    tpu.wait_dma2 semaphore(%arg10 : memref<!tpu.dma_semaphore, #tpu.memory_space<semaphore_mem>>) src(%arg3 : memref<2xf32, #tpu.memory_space<hbm>>) dst(%dma_wait3A_8 : memref<2xf32, #tpu.memory_space<vmem>>)
    %get3A = arith.constant 0 : index
    %get3A_9 = tpu.vector_load %arg6[%get3A] {strides = array<i32>} : memref<16xf32, #tpu.memory_space<vmem>>, vector<16xf32>,
    %slice3A = vector.extract_strided_slice %get3A_9 {offsets = [0], sizes = [1], strides = [1]} : vector<16xf32> to vector<1xf32>
    %squeeze3A = vector.extract %slice3A[0] : f32 from vector<1xf32>
    %broadcast_in_dim3A = vector.broadcast %squeeze3A : f32 to vector<16xf32>
    %slice3A_10 = vector.extract_strided_slice %get3A_9 {offsets = [1], sizes = [1], strides = [1]} : vector<16xf32> to vector<1xf32>
    %squeeze3A_11 = vector.extract %slice3A_10[0] : f32 from vector<1xf32>
    %slice3A_12 = vector.extract_strided_slice %get3A_9 {offsets = [0], sizes = [1], strides = [1]} : vector<16xf32> to vector<1xf32>
    %squeeze3A_13 = vector.extract %slice3A_12[0] : f32 from vector<1xf32>
    %sub3A = arith.subf %squeeze3A_11, %squeeze3A_13 : f32
    %broadcast_in_dim3A_14 = vector.broadcast %sub3A : f32 to vector<16xf32>
    %dma_wait3A_15 = tpu.memref_slice %arg2[%mul3A_0] : memref<16384xi32, #tpu.memory_space<hbm>> -> memref<1024xi32, #tpu.memory_space<hbm>>
    %dma_wait3A_16 = tpu.memref_slice %arg2[%mul3A_0] : memref<16384xi32, #tpu.memory_space<hbm>> -> memref<1024xi32, #tpu.memory_space<hbm>>
    tpu.wait_dma2 semaphore(%arg8 : memref<!tpu.dma_semaphore, #tpu.memory_space<semaphore_mem>>) src(%dma_wait3A_16 : memref<1024xi32, #tpu.memory_space<hbm>>) dst(%arg5 : memref<1024xi32, #tpu.memory_space<vmem>>)
    %parallel_loop3A = arith.constant 0 : i32
    %parallel_loop3A_17 = arith.constant 1024 : i32
    %parallel_loop3A_18 = arith.constant 16 : i32
    scf.for %parallel_loop3A_23 = %parallel_loop3A to %parallel_loop3A_17 step %parallel_loop3A_18  : i32 {
      %parallel_loop3A_24 = arith.index_cast %parallel_loop3A_23 : i32 to index
      %parallel_loop3A_25 = tpu.vector_load %arg5[%parallel_loop3A_24] {strides = array<i32>} : memref<1024xi32, #tpu.memory_space<vmem>>, vector<16xi32>,
      %parallel_loop3A_26 = arith.sitofp %parallel_loop3A_25 : vector<16xi32> to vector<16xf32>
      %parallel_loop3A_27 = arith.mulf %parallel_loop3A_26, %broadcast_in_dim3A_14 : vector<16xf32>
      %parallel_loop3A_28 = arith.addf %broadcast_in_dim3A, %parallel_loop3A_27 : vector<16xf32>
      %parallel_loop3A_29 = arith.index_cast %parallel_loop3A_23 : i32 to index
      %parallel_loop3A_30 = tpu.vector_load %arg7[%parallel_loop3A_29] {strides = array<i32>} : memref<1024xf32, #tpu.memory_space<vmem>>, vector<16xf32>,
      tpu.vector_store %arg7[%parallel_loop3A_29], %parallel_loop3A_28 {strides = array<i32>} : memref<1024xf32, #tpu.memory_space<vmem>>, vector<16xf32>,
    } {sc.loop_unroll_factor = 8 : i64, sc.parallel_access}
    %dma_start3A_19 = tpu.memref_slice %arg4[%mul3A_0] : memref<16384xf32, #tpu.memory_space<hbm>> -> memref<1024xf32, #tpu.memory_space<hbm>>
    %dma_start3A_20 = tpu.memref_slice %arg4[%mul3A_0] : memref<16384xf32, #tpu.memory_space<hbm>> -> memref<1024xf32, #tpu.memory_space<hbm>>
    tpu.enqueue_dma source(%arg7 : memref<1024xf32, #tpu.memory_space<vmem>>) target(%dma_start3A_20 : memref<1024xf32, #tpu.memory_space<hbm>>) target_semaphore(%arg9 : memref<!tpu.dma_semaphore, #tpu.memory_space<semaphore_mem>>)
    %dma_wait3A_21 = tpu.memref_slice %arg4[%mul3A_0] : memref<16384xf32, #tpu.memory_space<hbm>> -> memref<1024xf32, #tpu.memory_space<hbm>>
    %dma_wait3A_22 = tpu.memref_slice %arg4[%mul3A_0] : memref<16384xf32, #tpu.memory_space<hbm>> -> memref<1024xf32, #tpu.memory_space<hbm>>
    tpu.wait_dma2 semaphore(%arg9 : memref<!tpu.dma_semaphore, #tpu.memory_space<semaphore_mem>>) src(%arg7 : memref<1024xf32, #tpu.memory_space<vmem>>) dst(%dma_wait3A_22 : memref<1024xf32, #tpu.memory_space<hbm>>)
    return
  }
}

</mosaic_0001>

<sc_bundles>
// kernel: kernel.3.cloned.1.call-start
scs
__scs_entry_jumppad:
0x0: {  	(pc) =	sbr.rel $0x88, $3  }
0x1: {  	(tag) =	ssettag $0x0;
	lr =	simm.s32 $0x1  }
0x2: {  	[smem:$0x3F9F] =	sst lr;
	_ =	strace $0xD0000000  }
0x3: {  	_ = 	snop  }
0x4: {  	_ = 	snop  }
0x5: {  	_ = 	snop  }
0x6: {  	_ = 	snop  }
0x7: {  	_ = 	snop  }
__scs_overlays_trampoline_lowered:
0x8: {  	[smem:$0x3FAE] =	sst s0  }
0x9: {  	[smem:$0x3FAF] =	sst s1  }
0xa: {  	[smem:$0x3FB0] =	sst s2  }
0xb: {  	[smem:$0x3FB1] =	sst s3  }
0xc: {  	[smem:$0x3FB2] =	sst s4  }
0xd: {  	[smem:$0x3FB3] =	sst s5  }
0xe: {  	[smem:$0x3FB4] =	sst s6  }
0xf: {  	[smem:$0x3FB5] =	sst s7  }
0x10: {  	[smem:$0x3FB6] =	sst s8  }
0x11: {  	[smem:$0x3FB7] =	sst s9;
	s0 =	simm.s32 @!p0 $0x0  }
0x12: {  	s1 =	sld [smem:$0x3F9D];
	s0 =	simm.s32 @p0 $0x1  }
0x13: {  	[smem:$0x3FB8] =	sst s0;
	s0 =	simm.s32 @!p1 $0x0  }
0x14: {  	s2 =	sld [smem:$0x3F9C];
	s0 =	simm.s32 @p1 $0x1  }
0x15: {  	[smem:$0x3FB9] =	sst s0;
	s0 =	simm.s32 @!p2 $0x0  }
0x16: {  	s3 =	sld [smem:$0x3FDB];
	s0 =	simm.s32 @p2 $0x1  }
0x17: {  	s4 =	simm.s32 $0x1BF5;
	[smem:$0x3FBB] =	sst s0  }
0x18: {  	s0 =	sld [smem:$0x3F9E];
	_ =	swait.ge [sflag:s4], $0x0  }
0x19: {  	s7 =	sld [smem:$0x3F9F]  }
0x1a: {  	s8 =	sadd.s32 $0xFFFFE003, lr  }
0x1b: {  	s9 =	sadd.s32 $0xFFFFFEF7, lr;
	s5 =	simm.s32 $0xFFFFFFFF;
	p2 =	slt.u32 s8, $0xFFFFF086  }
0x1c: {  	p1 =	slt.u32 s9, $0xF7A;
	s5 =	simm.s32 @!p2 $0x0  }
0x1d: {  	s5 =	simm.s32 @p1 $0x1;
	p0 =	seq.s32 s7, s2  }
0x1e: {  	s7 =	smul.u32 @!p0 $0xF7A, s2;
	p2 =	seq.s32 @!p0 s5, $0x0  }
0x1f: {  	s9 =	smul.u32 $0xF7A, s1;
	s8 =	simm.s32 @!p0 $0x1BF5;
	p2 =	por !p2, p0  }
0x20: {  	[sflag:s8] =	ssyncset.s32 @!p0 $0xFFFFF086;
	s6 =	sadd.s32 @!p0 s3, s7;
	s7 =	simm.s32 @!p0 $0x108  }
0x21: {  	s3 =	sadd.s32 s3, s9;
	s6 =	sadd.s32 @!p0 $0x88, s6;
	s7 =	simm.s32 @p2 $0x1082  }
0x22: {  	[simem:s7], [sflag:s8] =	dma.local @!p0 [hbm:s6], $0xF7A  }
0x23: {  	s9 =	sor.u32 $0xD0000000, s2;
	s6 =	simm.s32 $0x108;
	_ =	swait.ge @!p0 [sflag:s8], $0x0  }
0x24: {  	s3 =	sadd.s32 $0x88, s3;
	s6 =	simm.s32 @!p1 $0x1082;
	[sflag:s4] =	ssyncset.s32 $0xFFFFF086  }
0x25: {  	[simem:s6], [sflag:s4] =	dma.local [hbm:s3], $0xF7A  }
0x26: {  	[smem:$0x3F9F] =	sst s1;
	(tag) =	ssettag s2;
	_ =	strace s9  }
0x27: {  	s1 =	sld [smem:$0x3FAF]  }
0x28: {  	s2 =	sld [smem:$0x3FB0]  }
0x29: {  	s4 =	sld [smem:$0x3FB2]  }
0x2a: {  	p0 =	seq.s32 s5, $0x0;
	s5 =	sld [smem:$0x3FB3]  }
0x2b: {  	s6 =	sld [smem:$0x3FB4]  }
0x2c: {  	s7 =	sld [smem:$0x3FB5]  }
0x2d: {  	s3 =	simm.s32 $0x108;
	s8 =	sld [smem:$0x3FB6]  }
0x2e: {  	s3 =	simm.s32 @!p0 $0x1082;
	s9 =	sld [smem:$0x3FB7]  }
0x2f: {  	lr =	sadd.s32 s0, s3;
	s0 =	sld [smem:$0x3FAE]  }
0x30: {  	s3 =	sld [smem:$0x3FB1]  }
0x31: {  	[smem:$0x3FBA] =	sst s10  }
0x32: {  	s10 =	sld [smem:$0x3FB8];
	_ =	sdelay $0x3  }
0x33: {  	p0 =	seq.s32 s10, $0x1;
	s10 =	sld [smem:$0x3FBA];
	_ =	sdelay $0x3  }
0x34: {  	[smem:$0x3FBA] =	sst s10  }
0x35: {  	s10 =	sld [smem:$0x3FB9];
	_ =	sdelay $0x3  }
0x36: {  	p1 =	seq.s32 s10, $0x1;
	s10 =	sld [smem:$0x3FBA];
	_ =	sdelay $0x3  }
0x37: {  	[smem:$0x3FBA] =	sst s10  }
0x38: {  	s10 =	sld [smem:$0x3FBB]  }
0x39: {  	_ = 	snop;
	(pc) =	sbr.ind lr, $3  }
0x3a: {  	_ = 	snop  }
0x3b: {  	_ = 	snop  }
0x3c: {  	p2 =	seq.s32 s10, $0x1;
	s10 =	sld [smem:$0x3FBA]  }
0x3d: {  	_ =	shalt  }
0x3e: {  	_ =	shalt  }
0x3f: {  	_ =	shalt  }
0x40: {  	_ =	shalt  }
0x41: {  	_ =	shalt  }
0x42: {  	_ =	shalt  }
0x43: {  	_ =	shalt  }
0x44: {  	_ =	shalt  }
0x45: {  	_ =	shalt  }
0x46: {  	_ =	shalt  }
0x47: {  	_ =	shalt  }
0x48: {  	_ =	shalt  }
0x49: {  	_ =	shalt  }
0x4a: {  	_ =	shalt  }
0x4b: {  	_ =	shalt  }
0x4c: {  	_ =	shalt  }
0x4d: {  	_ =	shalt  }
0x4e: {  	_ =	shalt  }
0x4f: {  	_ =	shalt  }
0x50: {  	_ =	shalt  }
0x51: {  	_ =	shalt  }
0x52: {  	_ =	shalt  }
0x53: {  	_ =	shalt  }
0x54: {  	_ =	shalt  }
0x55: {  	_ =	shalt  }
0x56: {  	_ =	shalt  }
0x57: {  	_ =	shalt  }
0x58: {  	_ =	shalt  }
0x59: {  	_ =	shalt  }
0x5a: {  	_ =	shalt  }
0x5b: {  	_ =	shalt  }
0x5c: {  	_ =	shalt  }
0x5d: {  	_ =	shalt  }
0x5e: {  	_ =	shalt  }
0x5f: {  	_ =	shalt  }
0x60: {  	_ =	shalt  }
0x61: {  	_ =	shalt  }
0x62: {  	_ =	shalt  }
0x63: {  	_ =	shalt  }
0x64: {  	_ =	shalt  }
0x65: {  	_ =	shalt  }
0x66: {  	_ =	shalt  }
0x67: {  	_ =	shalt  }
0x68: {  	_ =	shalt  }
0x69: {  	_ =	shalt  }
0x6a: {  	_ =	shalt  }
0x6b: {  	_ =	shalt  }
0x6c: {  	_ =	shalt  }
0x6d: {  	_ =	shalt  }
0x6e: {  	_ =	shalt  }
0x6f: {  	_ =	shalt  }
0x70: {  	_ =	shalt  }
0x71: {  	_ =	shalt  }
0x72: {  	_ =	shalt  }
0x73: {  	_ =	shalt  }
0x74: {  	_ =	shalt  }
0x75: {  	_ =	shalt  }
0x76: {  	_ =	shalt  }
0x77: {  	_ =	shalt  }
0x78: {  	_ =	shalt  }
0x79: {  	_ =	shalt  }
0x7a: {  	_ =	shalt  }
0x7b: {  	_ =	shalt  }
0x7c: {  	_ =	shalt  }
0x7d: {  	_ =	shalt  }
0x7e: {  	_ =	shalt  }
0x7f: {  	_ =	shalt  }
0x80: {  	_ =	shalt  }
0x81: {  	_ =	shalt  }
0x82: {  	_ =	shalt  }
0x83: {  	_ =	shalt  }
0x84: {  	_ =	shalt  }
0x85: {  	_ =	shalt  }
0x86: {  	_ =	shalt  }
0x87: {  	_ =	shalt  }
.Lfunc_end0:
.L_simem_size_0:
called_computation_lowered:
.L_overlay_start_0:
0x88: {  	s0 =	sld [smem:$0x3FD9]  }
0x89: {  	s1 =	sld [smem:$0x3FFE];
	_ =	sdelay $0x3  }
0x8a: {  	s0 =	sadd.s32 s1, s0  }
0x8b: {  	[smem:$0x3FC6] =	sst s0  }
0x8c: {  	_ = 	snop  }
0x8d: {  	s0 =	sld [smem:$0x3FC9]  }
0x8e: {  	s17 =	sld [smem:$0x3FC8]  }
0x8f: {  	s2 =	sld [smem:$0x3FD0];
	(tm) =	ssettm $0x1  }
0x90: {  	s3 =	sld [smem:$0x3FFB];
	_ =	sdelay $0x3  }
0x91: {  	_ =	strace s3  }
0x92: {  	s3 =	sld [smem:$0x3FFC];
	_ =	sdelay $0x3  }
0x93: {  	_ =	strace s3  }
0x94: {  	s3 =	sld [smem:$0x3FFD];
	_ =	sdelay $0x3  }
0x95: {  	_ =	strace s3  }
0x96: {  	_ =	strace $0x8FFFFFFF  }
0x97: {  	s18 =	sld [smem:$0x3FDB];
	_ =	sdelay $0x1  }
0x98: {  	s4 =	simm.s32 $_scs_section_size  }
0x99: {  	s5 =	simm.s32 $_size__tile_overlayer_lowered;
	s6 =	simm.s32 $_tile_overlayer_lowered  }
0x9a: {  	s21 =	simm.s32 $0x1BFF;
	s20 =	sshll.u32 s6, $0x1;
	s3 =	sadd.s32 s4, s18  }
0x9b: {  	s7 =	simm.s32 $0x0;
	s19 =	sshll.u32 s5, $0x1;
	s5 =	sadd.s32 s20, s3  }
0x9c: {  	[timem:s7], [sflag:s21] =	dma.local [hbm:s5], s19  }
0x9d: {  	_ =	swait.ge [sflag:s21], s19  }
0x9e: {  	s4 =	ssub.s32 $0x0, s19;
	[sflag:s21] =	ssyncset.done $0x0  }
0x9f: {  	[sflag:s21] =	ssyncadd.s32 s4;
	_ =	sdelay $0x1  }
0xa0: {  	s22 =	simm.s32 $0x1B8B  }
0xa1: {  	_ =	swait.ge [sflag:s22], $0x1  }
0xa2: {  	[sflag:s22] =	ssyncset.done $0x0  }
0xa3: {  	s23 =	simm.s32 $0x1B8E;
	[sflag:s22] =	ssyncadd.s32 $0xFFFFFFFF  }
0xa4: {  	s24 =	simm.s32 $execute0_lowered;
	[smem:$0x3FD2] =	sst s23  }
0xa5: {  	s4 =	sshll.u32 s24, $0x1;
	_ =	strace $0x80000046;
	[dreg:$0x1] =	wrdreg $0xFFFFFFFF  }
0xa6: {  	s25 =	simm.s32 $_size_execute0_lowered;
	s3 =	sadd.s32 s3, s4;
	[dreg:$0x0] =	wrdreg $0x0  }
0xa7: {  	s4 =	sshll.u32 s25, $0x1;
	[dreg:$0x2] =	wrdreg s3  }
0xa8: {  	[dreg:$0x3] =	wrdreg s4  }
0xa9: {  	[dreg:$0x4] =	wrdreg $0xC0  }
0xaa: {  	_ =	task [dreg:s7], $0x5FFFF  }
0xab: {  	[dreg:$0x1] =	wrdreg $0xFFFFFFFF  }
0xac: {  	[dreg:$0x0] =	wrdreg $0x60  }
0xad: {  	[dreg:$0x2] =	wrdreg s0  }
0xae: {  	[dreg:$0x3] =	wrdreg s17  }
0xaf: {  	[dreg:$0x4] =	wrdreg s2  }
0xb0: {  	[dreg:$0x5] =	wrdreg $0x9  }
0xb1: {  	_ =	task.clear_ibuf [dreg:s7], $0x6FFFF;
	_ =	strace $0x90000046  }
0xb2: {  	s26 =	simm.s32 $0x9;
	_ =	strace $0x80000048  }
0xb3: {  	_ =	swait.ge [sflag:s26], $0x1  }
0xb4: {  	[sflag:s26] =	ssyncadd.s32 $0xFFFFFFFF  }
0xb5: {  	_ =	strace $0x90000048  }
0xb6: {  	_ =	sfence  }
0xb7: {  	s28 =	sld [smem:$0x0];
	_ =	sdelay $0x1  }
0xb8: {  	s29 =	srdreg.scid  }
0xb9: {  	s30 =	sshll.u32 s29, $0xD;
	s31 =	sshrl.u32 s29, $0x2  }
0xba: {  	s1 =	sand.u32 $0x1, s29;
	s2 =	sand.u32 $0x4000, s30;
	s0 =	sadd.s32 s31, s28  }
0xbb: {  	s1 =	sor.u32 s2, s1;
	s0 =	sshll.u32 s0, $0x11  }
0xbc: {  	s0 =	sor.u32 s0, s1  }
0xbd: {  	s0 =	sadd.s32 $0x8F2B, s0  }
0xbe: {  	[sflag:s0] =	ssyncadd.remote.s32 $0x1  }
0xbf: {  	_ =	sfence.sel $0xFFFF  }
0xc0: {  	[dreg:$0x0] =	wrdreg $0xFFFFFFFF;
	(pc) =	sbr.abs _section_cstart, $3  }
0xc1: {  	[dreg:$0x1] =	wrdreg $0xFFFFFFFF  }
0xc2: {  	_ =	task.clear_ibuf [dreg:s7], $0x2FFFF;
	_ =	strace $0x9FFFFFFF  }
0xc3: {  	(tm) =	ssettm $0x7FFFFFFF  }
tec
execute0_lowered:
.L_overlay_start_1:
0x0: {  	(tag) =	ssettag $0x1  }
0x1: {  	s4 =	rddreg [dreg:$0x0]  }
0x2: {  	s5 =	rddreg [dreg:$0x1]  }
0x3: {  	s2 =	rddreg [dreg:$0x2]  }
0x4: {  	s0 =	rddreg [dreg:$0x3];
	s6 =	simm.s32 $0x0  }
0x5: {  	s1 =	stileid.u32;
	[smem:$0x7FF] =	sst s6  }
0x6: {  	s7 =	simm.s32 $0x400;
	s3 =	sshll.u32 s1, $0x7;
	_ =	strace $0x80000047  }
0x7: {  	[tilespmem:s7], [sflag:$0x3] =	stream.linear.gather [hbm4b:s5+s6], $0x2, $0x38;
	[tilespmem:$0x880] =	vst v63  }
0x8: {  	s25 =	simm.s32 $0x3;
	s4 =	sadd.s32 s4, s3  }
0x9: {  	[tilespmem:s6], [sflag:$0x1] =	stream.linear.gather [hbm4b:s4+s6], $0x400, $0x38;
	[tilespmem:$0x880] =	vst v63  }
0xa: {  	_ =	swait.ge [sflag:s25], $0x2  }
0xb: {  	[sflag:s25] =	ssyncset.done $0x0  }
0xc: {  	[sflag:s25] =	ssyncadd.s32 $0xFFFFFFFE  }
0xd: {  	v0 =	vld [tilespmem:$0x400];
	_ =	sdelay $0x4  }
0xe: {  	(v2sf) =	vpush v0, $0x0  }
0xf: {  	(v2sf) =	vpush v0, $0x1;
	_ =	sdelay $0xd  }
0x10: {  	s26 =	spop (v2sf)  }
0x11: {  	s29 =	simm.s32 $0x1;
	s28 =	spop (v2sf)  }
0x12: {  	_ =	swait.ge [sflag:s29], $0x400  }
0x13: {  	[sflag:s29] =	ssyncset.done $0x0  }
0x14: {  	s30 =	simm.s32 $0x40;
	[sflag:s29] =	ssyncadd.s32 $0xFFFFFC00  }
0x15: {  	v1 =	vld [tilespmem:s30+$0x30]  }
0x16: {  	v2 =	vld [tilespmem:s30+$0xFFFFFFD0]  }
0x17: {  	v3 =	vld [tilespmem:s30+$0xFFFFFFE0]  }
0x18: {  	v4 =	vld [tilespmem:s30+$0xFFFFFFF0]  }
0x19: {  	s4 =	ssub.f32 s28, s26;
	v5 =	vld [tilespmem:s30+$0x0]  }
0x1a: {  	v6 =	vld [tilespmem:s30+$0x10];
	v7 =	vcvt.s32.f32 v1  }
0x1b: {  	v0 =	vbroadcast v0, $0x0;
	v8 =	vld [tilespmem:s30+$0x20];
	v1 =	vmov s4;
	v2 =	vcvt.s32.f32 v2  }
0x1c: {  	s31 =	simm.s32 $0xC0;
	v9 =	vld [tilespmem:s30+$0xFFFFFFC0];
	v3 =	vcvt.s32.f32 v3;
	v7 =	vmul.f32 v7, v1  }
0x1d: {  	v10 =	vld [tilespmem:s31+$0x30];
	v4 =	vcvt.s32.f32 v4;
	v2 =	vmul.f32 v2, v1  }
0x1e: {  	v11 =	vld [tilespmem:s31+$0xFFFFFFD0];
	v5 =	vcvt.s32.f32 v5;
	v12 =	vmul.f32 v3, v1;
	v7 =	vadd.f32 v7, v0  }
0x1f: {  	v13 =	vld [tilespmem:s31+$0xFFFFFFE0];
	s4 =	simm.s32 $0x4C0;
	v6 =	vcvt.s32.f32 v6;
	v14 =	vmul.f32 v4, v1;
	v2 =	vadd.f32 v2, v0  }
0x20: {  	v8 =	vcvt.s32.f32 v8;
	v3 =	vld [tilespmem:s31+$0xFFFFFFF0];
	v5 =	vmul.f32 v5, v1;
	v12 =	vadd.f32 v12, v0;
	[tilespmem:s4+$0x30] =	vst v7  }
0x21: {  	v9 =	vcvt.s32.f32 v9;
	v4 =	vld [tilespmem:s31+$0x0];
	v6 =	vmul.f32 v6, v1;
	v14 =	vadd.f32 v14, v0;
	[tilespmem:s4+$0xFFFFFFD0] =	vst v2  }
0x22: {  	v15 =	vcvt.s32.f32 v10;
	v16 =	vmul.f32 v8, v1;
	v2 =	vld [tilespmem:s31+$0x10];
	[tilespmem:s4+$0xFFFFFFE0] =	vst v12;
	v12 =	vadd.f32 v5, v0  }
0x23: {  	v8 =	vmul.f32 v9, v1;
	v10 =	vadd.f32 v6, v0;
	v7 =	vcvt.s32.f32 v11;
	v5 =	vld [tilespmem:s31+$0x20];
	[tilespmem:s4+$0xFFFFFFF0] =	vst v14  }
0x24: {  	s5 =	simm.s32 $0x80;
	s6 =	simm.s32 $0x140;
	v9 =	vmul.f32 v15, v1;
	v6 =	vld [tilespmem:s31+$0xFFFFFFC0];
	v11 =	vcvt.s32.f32 v13;
	[tilespmem:s4+$0x0] =	vst v12;
	v12 =	vadd.f32 v16, v0  }
.LBB2_1:
0x25: {  	v13 =	vld [tilespmem:s6+$0x30];
	s5 =	sadd.s32 $0x80, s5;
	v7 =	vmul.f32 v7, v1;
	v3 =	vcvt.s32.f32 v3;
	v8 =	vadd.f32 v8, v0;
	[tilespmem:s4+$0x10] =	vst v10  }
0x26: {  	v10 =	vld [tilespmem:s6+$0xFFFFFFD0];
	p0 =	slt.u32 s5, $0x380;
	v11 =	vmul.f32 v11, v1;
	v4 =	vcvt.s32.f32 v4;
	v9 =	vadd.f32 v9, v0;
	[tilespmem:s4+$0x20] =	vst v12  }
0x27: {  	v12 =	vld [tilespmem:s6+$0xFFFFFFE0];
	v7 =	vadd.f32 v7, v0;
	v14 =	vmul.f32 v3, v1;
	v2 =	vcvt.s32.f32 v2;
	[tilespmem:s4+$0xFFFFFFC0] =	vst v8;
	s4 =	sadd.s32 $0x80, s4  }
.Ltmp0:
0x28: {  	v3 =	vld [tilespmem:s6+$0xFFFFFFF0];
	v8 =	vadd.f32 v11, v0;
	v11 =	vmul.f32 v4, v1;
	v5 =	vcvt.s32.f32 v5;
	[tilespmem:s4+$0x30] =	vst v9;
	(pc) =	sbr.rel @p0 .LBB2_1-.Ltmp0, $4  }
0x29: {  	v4 =	vld [tilespmem:s6+$0x0];
	v6 =	vcvt.s32.f32 v6;
	[tilespmem:s4+$0xFFFFFFD0] =	vst v7;
	v9 =	vadd.f32 v14, v0;
	v14 =	vmul.f32 v2, v1  }
0x2a: {  	v2 =	vld [tilespmem:s6+$0x10];
	v13 =	vcvt.s32.f32 v13;
	[tilespmem:s4+$0xFFFFFFE0] =	vst v8;
	v15 =	vadd.f32 v11, v0;
	v16 =	vmul.f32 v5, v1  }
0x2b: {  	v7 =	vcvt.s32.f32 v10;
	v5 =	vld [tilespmem:s6+$0x20];
	v8 =	vmul.f32 v6, v1;
	[tilespmem:s4+$0xFFFFFFF0] =	vst v9;
	v10 =	vadd.f32 v14, v0  }
0x2c: {  	v6 =	vld [tilespmem:s6+$0xFFFFFFC0];
	v11 =	vcvt.s32.f32 v12;
	v9 =	vmul.f32 v13, v1;
	s6 =	sadd.s32 $0x80, s6;
	[tilespmem:s4+$0x0] =	vst v15;
	v12 =	vadd.f32 v16, v0  }
0x2d: {  	v7 =	vmul.f32 v7, v1;
	v3 =	vcvt.s32.f32 v3;
	v8 =	vadd.f32 v8, v0;
	[tilespmem:s4+$0x10] =	vst v10  }
0x2e: {  	v59 =	vmul.f32 v11, v1;
	v4 =	vcvt.s32.f32 v4;
	v9 =	vadd.f32 v9, v0;
	[tilespmem:s4+$0x20] =	vst v12  }
0x2f: {  	s28 =	sadd.s32 $0x80, s4;
	v7 =	vadd.f32 v7, v0;
	v3 =	vmul.f32 v3, v1;
	v2 =	vcvt.s32.f32 v2;
	[tilespmem:s4+$0xFFFFFFC0] =	vst v8  }
0x30: {  	v60 =	vadd.f32 v59, v0;
	v4 =	vmul.f32 v4, v1;
	v5 =	vcvt.s32.f32 v5;
	[tilespmem:s28+$0x30] =	vst v9  }
0x31: {  	v6 =	vcvt.s32.f32 v6;
	[tilespmem:s28+$0xFFFFFFD0] =	vst v7;
	v3 =	vadd.f32 v3, v0;
	v2 =	vmul.f32 v2, v1  }
0x32: {  	[tilespmem:s28+$0xFFFFFFE0] =	vst v60;
	v4 =	vadd.f32 v4, v0;
	v5 =	vmul.f32 v5, v1  }
0x33: {  	v61 =	vmul.f32 v6, v1;
	[tilespmem:s28+$0xFFFFFFF0] =	vst v3;
	v2 =	vadd.f32 v2, v0  }
0x34: {  	[tilespmem:s28+$0x0] =	vst v4;
	v62 =	vadd.f32 v5, v0  }
0x35: {  	v63 =	vadd.f32 v61, v0;
	[tilespmem:s28+$0x10] =	vst v2  }
0x36: {  	s2 =	sadd.s32 s2, s3;
	[tilespmem:s28+$0x20] =	vst v62  }
0x37: {  	s29 =	simm.s32 $0x0;
	s30 =	simm.s32 $0x480;
	s31 =	simm.s32 $0x2;
	[tilespmem:s28+$0xFFFFFFC0] =	vst v63  }
0x38: {  	[hbm4b:s2+s29] =	stream.linear.scatter [tilespmem:s30], [sflag:$0x2], $0x400, $0x38;
	[tilespmem:$0x880] =	vst v63  }
0x39: {  	_ =	swait.ge [sflag:s31], $0x400  }
0x3a: {  	[sflag:s31] =	ssyncset.done $0x0  }
0x3b: {  	[sflag:s31] =	ssyncadd.s32 $0xFFFFFC00  }
0x3c: {  	_ =	sfence.sel $0x180000  }
0x3d: {  	[bflag:$0x0] =	sbarrier.arrive $0xFFFF  }
0x3e: {  	p0 =	sne.s32 s1, $0x0;
	_ =	strace $0x90000047  }
0x3f: {  	s0 =	sadd.s32 @!p0 $0x100000, s0;
	[bflag:$0x2] =	sbarrier.arrive $0xFFFF  }
0x40: {  	[sflag:s0] =	ssyncadd.tile.s32 @!p0 $0x1;
	_ =	shalt  }
.Lfunc_end2:
_tile_overlayer_lowered:
.L_overlay_start_2:
0x41: {  	(tag) =	ssettag $0x2  }
0x42: {  	s0 =	rddreg [dreg:$0x0];
	s2 =	stileid.u32  }
0x43: {  	s1 =	rddreg [dreg:$0x1];
	p0 =	sne.s32 s2, $0x0  }
0x44: {  	s3 =	rddreg [dreg:$0x2];
	[bflag:$0x3] =	sbarrier.arrive $0xFFFF;
	s2 =	simm.s32 @!p0 $0x1C04  }
0x45: {  	[timem:s3], [sflag:s2] =	dma.local @!p0 [hbm:s0], s1  }
0x46: {  	s0 =	simm.s32 @!p0 $0x4  }
0x47: {  	_ =	swait.ge @!p0 [sflag:s0], s1  }
0x48: {  	s1 =	ssub.s32 @!p0 $0x0, s1;
	[sflag:s0] =	ssyncset.done @!p0 $0x0  }
0x49: {  	[sflag:s0] =	ssyncadd.s32 @!p0 s1  }
0x4a: {  	[bflag:$0x3] =	sbarrier.arrive $0xFFFF  }
0x4b: {  	_ =	shalt  }

</sc_bundles>
